<compile_context>
chip_gen: v7x
topology: tpu7x:2x2x1
jax: 0.10.2.dev20260603
libtpu: 0.0.44.dev20260713+nightly
codegen_flags: <defaults>
</compile_context>

<pallas_src>
import jax
import jax.numpy as jnp
from jax import lax
from jax.experimental import pallas as pl
from jax.experimental.pallas import tpu as pltpu

_BETA_THRESHOLD = 0.3
_DIST_THRESHOLD = 0.5
_N = 20000
_D0 = 20
_D1 = 8
_D2 = 128
_NPAD = _D0 * _D1 * _D2

_BIG_IDX = 2**30
_SHAPE = (_D0, _D1, _D2)


def _condense_kernel(spk_ref, m_ref, cx_ref, cy_ref, cz_ref, pk_ref):
    flat = (lax.broadcasted_iota(jnp.int32, _SHAPE, 0) * (_D1 * _D2)
            + lax.broadcasted_iota(jnp.int32, _SHAPE, 1) * _D2
            + lax.broadcasted_iota(jnp.int32, _SHAPE, 2))

    m_count = m_ref[0]
    cx = cx_ref[:]
    cy = cy_ref[:]
    cz = cz_ref[:]

    pk_ref[:] = jnp.full(_SHAPE, -1, jnp.int32)

    def body(state):
        k, p = state
        base = p * jnp.int32(4)
        ax = spk_ref[base]
        ay = spk_ref[base + 1]
        az = spk_ref[base + 2]
        ra = spk_ref[base + 3] * jnp.float32(_DIST_THRESHOLD)

        dx = cx - ax
        dy = cy - ay
        dz = cz - az
        d = jnp.sqrt(dx * dx + dy * dy + dz * dz)
        inrad = d <= ra
        pk = pk_ref[:]
        unas = pk < 0
        newpk = k * jnp.int32(32768) + p
        pk_ref[:] = jnp.where(unas & inrad, newpk, pk)
        cand = jnp.where(unas & jnp.logical_not(inrad), flat,
                         jnp.int32(_BIG_IDX))
        p2 = jnp.min(jnp.min(cand, axis=0))
        return k + jnp.int32(1), p2

    lax.while_loop(lambda s: s[1] < m_count, body,
                   (jnp.int32(0), jnp.int32(0)))


def kernel(pred_ccoords, pred_beta, pred_dist):
    beta = pred_beta.reshape(-1)
    order = jnp.argsort(-beta, stable=True).astype(jnp.int32)
    orig_f = lax.bitcast_convert_type(
        jnp.arange(_N, dtype=jnp.int32) + jnp.int32(0x40000000), jnp.float32)
    packed = jnp.stack(
        [pred_ccoords[:, 0], pred_ccoords[:, 1], pred_ccoords[:, 2],
         pred_dist.reshape(-1), orig_f], axis=1)
    packed_s = packed[order]

    pad = _NPAD - _N
    cx = jnp.pad(packed_s[:, 0], (0, pad), constant_values=1e30)
    cy = jnp.pad(packed_s[:, 1], (0, pad), constant_values=1e30)
    cz = jnp.pad(packed_s[:, 2], (0, pad), constant_values=1e30)
    sdist = jnp.pad(packed_s[:, 3], (0, pad), constant_values=0.0)
    smem_pack = jnp.stack([cx, cy, cz, sdist], axis=1).reshape(-1)

    m_arr = jnp.sum(beta > jnp.float32(_BETA_THRESHOLD)).astype(
        jnp.int32).reshape(1)

    smem_spec = pl.BlockSpec(memory_space=pltpu.SMEM)
    pk3d = pl.pallas_call(
        _condense_kernel,
        out_shape=jax.ShapeDtypeStruct(_SHAPE, jnp.int32),
        in_specs=[smem_spec, smem_spec] + [pl.BlockSpec()] * 3,
    )(smem_pack, m_arr,
      cx.reshape(_SHAPE), cy.reshape(_SHAPE), cz.reshape(_SHAPE))

    pk_s = pk3d.reshape(-1)[:_N]
    pko = jnp.zeros((_N,), jnp.int32).at[order].set(pk_s)
    valid = pko >= 0
    q = pko // jnp.int32(32768)
    assign = jnp.where(valid, q, -1)
    alpha_spos = jnp.where(valid, pko - q * jnp.int32(32768), 0)
    comb = jnp.take(packed_s, alpha_spos, axis=0)
    alpha_idx = jnp.where(
        valid,
        lax.bitcast_convert_type(comb[:, 4], jnp.int32) - jnp.int32(0x40000000),
        -1)
    cond_coords = jnp.where(valid[:, None], comb[:, :3],
                            jnp.zeros((_N, 3), jnp.float32))
    return assign, alpha_idx, cond_coords

# --- scband reference (transcript-rebuilt; emitter-appended) ---
"""Pipeline reference for scband-ochits2-showers-layer-26173530702550 (READ-ONLY COPY).

The authoritative reference and input builder live on the scoring server;
editing this copy changes nothing except your own understanding.
"""

import jax, jax.numpy as jnp
import numpy as np

BETA_THRESHOLD = 0.3
DISTANCE_THRESHOLD = 0.5
N_HITS = 20000


def setup_inputs(seed: int = 0) -> dict:
    key = jax.random.key(seed)
    k1, k2, k3 = jax.random.split(key, 3)
    pred_ccoords = jax.random.normal(k1, (N_HITS, 3), dtype=jnp.float32)
    pred_beta = jax.random.uniform(k2, (N_HITS, 1), dtype=jnp.float32)
    pred_dist = jax.random.uniform(k3, (N_HITS, 1), dtype=jnp.float32)
    return {"pred_ccoords": pred_ccoords, "pred_beta": pred_beta, "pred_dist": pred_dist}


def _build_and_assign(coords, beta, dist, beta_threshold, distance_threshold):
    # Greedy object-condensation assignment (NMS-like):
    # repeatedly pick the highest-beta unassigned hit above beta_threshold
    # (assign_by_max_beta=True), and assign all unassigned hits within its
    # local distance radius (use_local_distance_thresholding=True) to it.
    N = coords.shape[0]
    beta_f = beta.reshape(-1)
    radius = dist.reshape(-1) * distance_threshold

    def cond_fn(state):
        assign, alpha_assign, k = state
        avail = jnp.where(assign < 0, beta_f, -1.0)
        return jnp.max(avail) > beta_threshold

    def body_fn(state):
        assign, alpha_assign, k = state
        avail = jnp.where(assign < 0, beta_f, -1.0)
        a = jnp.argmax(avail)
        d = jnp.sqrt(jnp.sum((coords - coords[a]) ** 2, axis=-1))
        within = (d <= radius[a]) & (assign < 0)
        assign = jnp.where(within, k, assign)
        alpha_assign = jnp.where(within, a.astype(jnp.int32), alpha_assign)
        return assign, alpha_assign, k + jnp.int32(1)

    init = (jnp.full((N,), -1, jnp.int32), jnp.full((N,), -1, jnp.int32), jnp.int32(0))
    return jax.lax.while_loop(cond_fn, body_fn, init)


_build_and_assign_jit = jax.jit(_build_and_assign, static_argnums=(3, 4))


def reference(pred_ccoords, pred_beta, pred_dist):
    assign, alpha_idx, n_cond = _build_and_assign_jit(
        pred_ccoords, pred_beta, pred_dist, BETA_THRESHOLD, DISTANCE_THRESHOLD)
    # gather the condensate (alpha) coordinates for every assigned hit;
    # noise hits (alpha_idx == -1) get zeros
    safe_alpha = jnp.where(alpha_idx < 0, 0, alpha_idx)
    cond_coords = jnp.take(pred_ccoords, safe_alpha, axis=0)
    cond_coords = jnp.where((alpha_idx >= 0)[:, None], cond_coords, jnp.zeros_like(cond_coords))
    return assign, alpha_idx, cond_coords

if __name__ == "__main__":
    import jax
    _d = setup_inputs()
    print(jax.jit(kernel)(*tuple(_d.values())))

</pallas_src>

<mosaic_0001>
module attributes {stable_mosaic.version = 14 : i64} {
  func.func @_condense_kernel(%arg0: memref<81920xf32, #tpu.memory_space<smem>>, %arg1: memref<1xi32, #tpu.memory_space<smem>>, %arg2: memref<20x8x128xf32, #tpu.memory_space<vmem>>, %arg3: memref<20x8x128xf32, #tpu.memory_space<vmem>>, %arg4: memref<20x8x128xf32, #tpu.memory_space<vmem>>, %arg5: memref<20x8x128xi32, #tpu.memory_space<vmem>>) attributes {dimension_semantics = [], scalar_prefetch = 0 : i64, scratch_operands = 0 : i64, tpu.core_type = #tpu.core_type<tc>} {
    %iota3A = tpu.iota {dimensions = array<i32: 0>} : vector<20x8x128xi32>
    %mul3A = arith.constant 1024 : i32
    %mul3A_0 = vector.broadcast %mul3A : i32 to vector<20x8x128xi32>
    %mul3A_1 = arith.muli %iota3A, %mul3A_0 : vector<20x8x128xi32>
    %iota3A_2 = tpu.iota {dimensions = array<i32: 1>} : vector<20x8x128xi32>
    %mul3A_3 = arith.constant 128 : i32
    %mul3A_4 = vector.broadcast %mul3A_3 : i32 to vector<20x8x128xi32>
    %mul3A_5 = arith.muli %iota3A_2, %mul3A_4 : vector<20x8x128xi32>
    %add3A = arith.addi %mul3A_1, %mul3A_5 : vector<20x8x128xi32>
    %iota3A_6 = tpu.iota {dimensions = array<i32: 2>} : vector<20x8x128xi32>
    %add3A_7 = arith.addi %add3A, %iota3A_6 : vector<20x8x128xi32>
    %get3A = arith.constant 0 : index
    %get3A_8 = memref.load %arg1[%get3A] : memref<1xi32, #tpu.memory_space<smem>>
    %get3A_9 = arith.constant 0 : index
    %get3A_10 = arith.constant 0 : index
    %get3A_11 = arith.constant 0 : index
    %get3A_12 = vector.load %arg2[%get3A_9, %get3A_10, %get3A_11] : memref<20x8x128xf32, #tpu.memory_space<vmem>>, vector<20x8x128xf32>
    %get3A_13 = arith.constant 0 : index
    %get3A_14 = arith.constant 0 : index
    %get3A_15 = arith.constant 0 : index
    %get3A_16 = vector.load %arg3[%get3A_13, %get3A_14, %get3A_15] : memref<20x8x128xf32, #tpu.memory_space<vmem>>, vector<20x8x128xf32>
    %get3A_17 = arith.constant 0 : index
    %get3A_18 = arith.constant 0 : index
    %get3A_19 = arith.constant 0 : index
    %get3A_20 = vector.load %arg4[%get3A_17, %get3A_18, %get3A_19] : memref<20x8x128xf32, #tpu.memory_space<vmem>>, vector<20x8x128xf32>
    %broadcast_in_dim3A = arith.constant -1 : i32
    %broadcast_in_dim3A_21 = vector.broadcast %broadcast_in_dim3A : i32 to vector<20x8x128xi32>
    %swap3A = arith.constant 0 : index
    %swap3A_22 = arith.constant 0 : index
    %swap3A_23 = arith.constant 0 : index
    %swap3A_24 = vector.load %arg5[%swap3A, %swap3A_22, %swap3A_23] : memref<20x8x128xi32, #tpu.memory_space<vmem>>, vector<20x8x128xi32>
    tpu.vector_store %arg5[%swap3A, %swap3A_22, %swap3A_23], %broadcast_in_dim3A_21 {strides = array<i32>} : memref<20x8x128xi32, #tpu.memory_space<vmem>>, vector<20x8x128xi32>,
    %while3A = arith.constant 0 : i32
    %while3A_25 = arith.constant 0 : i32
    %while3A_26:2 = scf.while (%while3A_27 = %while3A, %while3A_28 = %while3A_25) : (i32, i32) -> (i32, i32) {
      %lt3A = arith.cmpi slt, %while3A_28, %get3A_8 : i32
      scf.condition(%lt3A) %while3A_27, %while3A_28 : i32, i32
    } do {
    ^bb0(%while3A_27: i32, %while3A_28: i32):
      %mul3A_29 = arith.constant 4 : i32
      %mul3A_30 = arith.muli %while3A_28, %mul3A_29 : i32
      %get3A_31 = arith.index_cast %mul3A_30 : i32 to index
      %get3A_32 = memref.load %arg0[%get3A_31] : memref<81920xf32, #tpu.memory_space<smem>>
      %add3A_33 = arith.constant 1 : i32
      %add3A_34 = arith.addi %mul3A_30, %add3A_33 : i32
      %get3A_35 = arith.index_cast %add3A_34 : i32 to index
      %get3A_36 = memref.load %arg0[%get3A_35] : memref<81920xf32, #tpu.memory_space<smem>>
      %add3A_37 = arith.constant 2 : i32
      %add3A_38 = arith.addi %mul3A_30, %add3A_37 : i32
      %get3A_39 = arith.index_cast %add3A_38 : i32 to index
      %get3A_40 = memref.load %arg0[%get3A_39] : memref<81920xf32, #tpu.memory_space<smem>>
      %add3A_41 = arith.constant 3 : i32
      %add3A_42 = arith.addi %mul3A_30, %add3A_41 : i32
      %get3A_43 = arith.index_cast %add3A_42 : i32 to index
      %get3A_44 = memref.load %arg0[%get3A_43] : memref<81920xf32, #tpu.memory_space<smem>>
      %mul3A_45 = arith.constant 5.000000e-01 : f32
      %mul3A_46 = arith.mulf %get3A_44, %mul3A_45 : f32
      %sub3A = vector.broadcast %get3A_32 : f32 to vector<20x8x128xf32>
      %sub3A_47 = arith.subf %get3A_12, %sub3A : vector<20x8x128xf32>
      %sub3A_48 = vector.broadcast %get3A_36 : f32 to vector<20x8x128xf32>
      %sub3A_49 = arith.subf %get3A_16, %sub3A_48 : vector<20x8x128xf32>
      %sub3A_50 = vector.broadcast %get3A_40 : f32 to vector<20x8x128xf32>
      %sub3A_51 = arith.subf %get3A_20, %sub3A_50 : vector<20x8x128xf32>
      %mul3A_52 = arith.mulf %sub3A_47, %sub3A_47 : vector<20x8x128xf32>
      %mul3A_53 = arith.mulf %sub3A_49, %sub3A_49 : vector<20x8x128xf32>
      %add3A_54 = arith.addf %mul3A_52, %mul3A_53 : vector<20x8x128xf32>
      %mul3A_55 = arith.mulf %sub3A_51, %sub3A_51 : vector<20x8x128xf32>
      %add3A_56 = arith.addf %add3A_54, %mul3A_55 : vector<20x8x128xf32>
      %sqrt3A = math.sqrt %add3A_56 : vector<20x8x128xf32>
      %le3A = vector.broadcast %mul3A_46 : f32 to vector<20x8x128xf32>
      %le3A_57 = arith.cmpf ole, %sqrt3A, %le3A : vector<20x8x128xf32>
      %get3A_58 = arith.constant 0 : index
      %get3A_59 = arith.constant 0 : index
      %get3A_60 = arith.constant 0 : index
      %get3A_61 = vector.load %arg5[%get3A_58, %get3A_59, %get3A_60] : memref<20x8x128xi32, #tpu.memory_space<vmem>>, vector<20x8x128xi32>
      %lt3A = arith.constant 0 : i32
      %lt3A_62 = vector.broadcast %lt3A : i32 to vector<20x8x128xi32>
      %lt3A_63 = arith.cmpi slt, %get3A_61, %lt3A_62 : vector<20x8x128xi32>
      %mul3A_64 = arith.constant 32768 : i32
      %mul3A_65 = arith.muli %while3A_27, %mul3A_64 : i32
      %add3A_66 = arith.addi %mul3A_65, %while3A_28 : i32
      %and3A = arith.andi %lt3A_63, %le3A_57 : vector<20x8x128xi1>
      %broadcast_in_dim3A_67 = vector.broadcast %add3A_66 : i32 to vector<20x8x128xi32>
      %select_n3A = arith.select %and3A, %broadcast_in_dim3A_67, %get3A_61 : vector<20x8x128xi1>, vector<20x8x128xi32>
      %swap3A_68 = arith.constant 0 : index
      %swap3A_69 = arith.constant 0 : index
      %swap3A_70 = arith.constant 0 : index
      %swap3A_71 = vector.load %arg5[%swap3A_68, %swap3A_69, %swap3A_70] : memref<20x8x128xi32, #tpu.memory_space<vmem>>, vector<20x8x128xi32>
      tpu.vector_store %arg5[%swap3A_68, %swap3A_69, %swap3A_70], %select_n3A {strides = array<i32>} : memref<20x8x128xi32, #tpu.memory_space<vmem>>, vector<20x8x128xi32>,
      %not3A = arith.constant dense<true> : vector<20x8x128xi1>
      %not3A_72 = arith.xori %le3A_57, %not3A : vector<20x8x128xi1>
      %and3A_73 = arith.andi %lt3A_63, %not3A_72 : vector<20x8x128xi1>
      %jit3A = arith.constant 1073741824 : i32
      %broadcast_in_dim3A_74 = vector.broadcast %jit3A : i32 to vector<20x8x128xi32>
      %select_n3A_75 = arith.select %and3A_73, %add3A_7, %broadcast_in_dim3A_74 : vector<20x8x128xi1>, vector<20x8x128xi32>
      %reduce_min3A = arith.constant dense<2147483647> : vector<8x128xi32>
      %reduce_min3A_76 = vector.multi_reduction <minsi>, %select_n3A_75, %reduce_min3A [0] : vector<20x8x128xi32> to vector<8x128xi32>
      %reduce_min3A_77 = vector.shape_cast %reduce_min3A_76 : vector<8x128xi32> to vector<1x8x128xi32>
      %reduce_min3A_78 = arith.constant dense<2147483647> : vector<1xi32>
      %reduce_min3A_79 = vector.multi_reduction <minsi>, %reduce_min3A_77, %reduce_min3A_78 [1, 2] : vector<1x8x128xi32> to vector<1xi32>
      %reduce_min3A_80 = vector.shape_cast %reduce_min3A_79 : vector<1xi32> to vector<1x1x1xi32>
      %reduce_min3A_81 = vector.extract %reduce_min3A_80[0, 0, 0] : i32 from vector<1x1x1xi32>
      %add3A_82 = arith.constant 1 : i32
      %add3A_83 = arith.addi %while3A_27, %add3A_82 : i32
      scf.yield %add3A_83, %reduce_min3A_81 : i32, i32
    }
    return
  }
}

</mosaic_0001>

<sc_bundles>
// kernel: gather_offload_async_start.1
scs
__scs_entry_jumppad:
0x0: {  	(pc) =	sbr.rel $0x88, $3  }
0x1: {  	(tag) =	ssettag $0x0;
	lr =	simm.s32 $0x1  }
0x2: {  	[smem:$0x3F9E] =	sst lr;
	_ =	strace $0xD0000000  }
0x3: {  	_ = 	snop  }
0x4: {  	_ = 	snop  }
0x5: {  	_ = 	snop  }
0x6: {  	_ = 	snop  }
0x7: {  	_ = 	snop  }
__scs_overlays_trampoline_lowered:
0x8: {  	[smem:$0x3FAD] =	sst s0  }
0x9: {  	[smem:$0x3FAE] =	sst s1  }
0xa: {  	[smem:$0x3FAF] =	sst s2  }
0xb: {  	[smem:$0x3FB0] =	sst s3  }
0xc: {  	[smem:$0x3FB1] =	sst s4  }
0xd: {  	[smem:$0x3FB2] =	sst s5  }
0xe: {  	[smem:$0x3FB3] =	sst s6  }
0xf: {  	[smem:$0x3FB4] =	sst s7  }
0x10: {  	[smem:$0x3FB5] =	sst s8  }
0x11: {  	[smem:$0x3FB6] =	sst s9;
	s0 =	simm.s32 @!p0 $0x0  }
0x12: {  	s1 =	sld [smem:$0x3F9C];
	s0 =	simm.s32 @p0 $0x1  }
0x13: {  	[smem:$0x3FB7] =	sst s0;
	s0 =	simm.s32 @!p1 $0x0  }
0x14: {  	s2 =	sld [smem:$0x3F9B];
	s0 =	simm.s32 @p1 $0x1  }
0x15: {  	[smem:$0x3FB8] =	sst s0;
	s0 =	simm.s32 @!p2 $0x0  }
0x16: {  	s3 =	sld [smem:$0x3FDB];
	s0 =	simm.s32 @p2 $0x1  }
0x17: {  	s4 =	simm.s32 $0x1BF5;
	[smem:$0x3FBA] =	sst s0  }
0x18: {  	s0 =	sld [smem:$0x3F9D];
	_ =	swait.ge [sflag:s4], $0x0  }
0x19: {  	s7 =	sld [smem:$0x3F9E]  }
0x1a: {  	s8 =	sadd.s32 $0xFFFFE003, lr  }
0x1b: {  	s9 =	sadd.s32 $0xFFFFFEF7, lr;
	s5 =	simm.s32 $0xFFFFFFFF;
	p2 =	slt.u32 s8, $0xFFFFF086  }
0x1c: {  	p1 =	slt.u32 s9, $0xF7A;
	s5 =	simm.s32 @!p2 $0x0  }
0x1d: {  	s5 =	simm.s32 @p1 $0x1;
	p0 =	seq.s32 s7, s2  }
0x1e: {  	s7 =	smul.u32 @!p0 $0xF7A, s2;
	p2 =	seq.s32 @!p0 s5, $0x0  }
0x1f: {  	s9 =	smul.u32 $0xF7A, s1;
	s8 =	simm.s32 @!p0 $0x1BF5;
	p2 =	por !p2, p0  }
0x20: {  	[sflag:s8] =	ssyncset.s32 @!p0 $0xFFFFF086;
	s6 =	sadd.s32 @!p0 s3, s7;
	s7 =	simm.s32 @!p0 $0x108  }
0x21: {  	s3 =	sadd.s32 s3, s9;
	s6 =	sadd.s32 @!p0 $0x88, s6;
	s7 =	simm.s32 @p2 $0x1082  }
0x22: {  	[simem:s7], [sflag:s8] =	dma.local @!p0 [hbm:s6], $0xF7A  }
0x23: {  	s9 =	sor.u32 $0xD0000000, s2;
	s6 =	simm.s32 $0x108;
	_ =	swait.ge @!p0 [sflag:s8], $0x0  }
0x24: {  	s3 =	sadd.s32 $0x88, s3;
	s6 =	simm.s32 @!p1 $0x1082;
	[sflag:s4] =	ssyncset.s32 $0xFFFFF086  }
0x25: {  	[simem:s6], [sflag:s4] =	dma.local [hbm:s3], $0xF7A  }
0x26: {  	[smem:$0x3F9E] =	sst s1;
	(tag) =	ssettag s2;
	_ =	strace s9  }
0x27: {  	s1 =	sld [smem:$0x3FAE]  }
0x28: {  	s2 =	sld [smem:$0x3FAF]  }
0x29: {  	s4 =	sld [smem:$0x3FB1]  }
0x2a: {  	p0 =	seq.s32 s5, $0x0;
	s5 =	sld [smem:$0x3FB2]  }
0x2b: {  	s6 =	sld [smem:$0x3FB3]  }
0x2c: {  	s7 =	sld [smem:$0x3FB4]  }
0x2d: {  	s3 =	simm.s32 $0x108;
	s8 =	sld [smem:$0x3FB5]  }
0x2e: {  	s3 =	simm.s32 @!p0 $0x1082;
	s9 =	sld [smem:$0x3FB6]  }
0x2f: {  	lr =	sadd.s32 s0, s3;
	s0 =	sld [smem:$0x3FAD]  }
0x30: {  	s3 =	sld [smem:$0x3FB0]  }
0x31: {  	[smem:$0x3FB9] =	sst s10  }
0x32: {  	s10 =	sld [smem:$0x3FB7];
	_ =	sdelay $0x3  }
0x33: {  	p0 =	seq.s32 s10, $0x1;
	s10 =	sld [smem:$0x3FB9];
	_ =	sdelay $0x3  }
0x34: {  	[smem:$0x3FB9] =	sst s10  }
0x35: {  	s10 =	sld [smem:$0x3FB8];
	_ =	sdelay $0x3  }
0x36: {  	p1 =	seq.s32 s10, $0x1;
	s10 =	sld [smem:$0x3FB9];
	_ =	sdelay $0x3  }
0x37: {  	[smem:$0x3FB9] =	sst s10  }
0x38: {  	s10 =	sld [smem:$0x3FBA]  }
0x39: {  	_ = 	snop;
	(pc) =	sbr.ind lr, $3  }
0x3a: {  	_ = 	snop  }
0x3b: {  	_ = 	snop  }
0x3c: {  	p2 =	seq.s32 s10, $0x1;
	s10 =	sld [smem:$0x3FB9]  }
0x3d: {  	_ =	shalt  }
0x3e: {  	_ =	shalt  }
0x3f: {  	_ =	shalt  }
0x40: {  	_ =	shalt  }
0x41: {  	_ =	shalt  }
0x42: {  	_ =	shalt  }
0x43: {  	_ =	shalt  }
0x44: {  	_ =	shalt  }
0x45: {  	_ =	shalt  }
0x46: {  	_ =	shalt  }
0x47: {  	_ =	shalt  }
0x48: {  	_ =	shalt  }
0x49: {  	_ =	shalt  }
0x4a: {  	_ =	shalt  }
0x4b: {  	_ =	shalt  }
0x4c: {  	_ =	shalt  }
0x4d: {  	_ =	shalt  }
0x4e: {  	_ =	shalt  }
0x4f: {  	_ =	shalt  }
0x50: {  	_ =	shalt  }
0x51: {  	_ =	shalt  }
0x52: {  	_ =	shalt  }
0x53: {  	_ =	shalt  }
0x54: {  	_ =	shalt  }
0x55: {  	_ =	shalt  }
0x56: {  	_ =	shalt  }
0x57: {  	_ =	shalt  }
0x58: {  	_ =	shalt  }
0x59: {  	_ =	shalt  }
0x5a: {  	_ =	shalt  }
0x5b: {  	_ =	shalt  }
0x5c: {  	_ =	shalt  }
0x5d: {  	_ =	shalt  }
0x5e: {  	_ =	shalt  }
0x5f: {  	_ =	shalt  }
0x60: {  	_ =	shalt  }
0x61: {  	_ =	shalt  }
0x62: {  	_ =	shalt  }
0x63: {  	_ =	shalt  }
0x64: {  	_ =	shalt  }
0x65: {  	_ =	shalt  }
0x66: {  	_ =	shalt  }
0x67: {  	_ =	shalt  }
0x68: {  	_ =	shalt  }
0x69: {  	_ =	shalt  }
0x6a: {  	_ =	shalt  }
0x6b: {  	_ =	shalt  }
0x6c: {  	_ =	shalt  }
0x6d: {  	_ =	shalt  }
0x6e: {  	_ =	shalt  }
0x6f: {  	_ =	shalt  }
0x70: {  	_ =	shalt  }
0x71: {  	_ =	shalt  }
0x72: {  	_ =	shalt  }
0x73: {  	_ =	shalt  }
0x74: {  	_ =	shalt  }
0x75: {  	_ =	shalt  }
0x76: {  	_ =	shalt  }
0x77: {  	_ =	shalt  }
0x78: {  	_ =	shalt  }
0x79: {  	_ =	shalt  }
0x7a: {  	_ =	shalt  }
0x7b: {  	_ =	shalt  }
0x7c: {  	_ =	shalt  }
0x7d: {  	_ =	shalt  }
0x7e: {  	_ =	shalt  }
0x7f: {  	_ =	shalt  }
0x80: {  	_ =	shalt  }
0x81: {  	_ =	shalt  }
0x82: {  	_ =	shalt  }
0x83: {  	_ =	shalt  }
0x84: {  	_ =	shalt  }
0x85: {  	_ =	shalt  }
0x86: {  	_ =	shalt  }
0x87: {  	_ =	shalt  }
.Lfunc_end0:
.L_simem_size_0:
called_computation.1_lowered:
.L_overlay_start_0:
0x88: {  	s2 =	sld [smem:$0x3FD9]  }
0x89: {  	s3 =	sld [smem:$0x3FFE];
	_ =	sdelay $0x1  }
0x8a: {  	s1 =	srdreg.scid  }
0x8b: {  	s0 =	sand.u32 $0x1, s1  }
0x8c: {  	s14 =	sshll.u32 s0, $0xA;
	s2 =	sadd.s32 s3, s2  }
0x8d: {  	s2 =	sadd.s32 s2, s14  }
0x8e: {  	[smem:$0x3FC5] =	sst s2  }
0x8f: {  	_ = 	snop  }
0x90: {  	s2 =	sld [smem:$0x3FD0];
	_ =	sdelay $0x2  }
0x91: {  	s15 =	simm.s32 $0xA;
	s4 =	simm.s32 $0x10  }
0x92: {  	[smem:s4], [sflag:s15] =	dma.local [hbm:s2], $0x1  }
0x93: {  	_ =	swait.eq [sflag:s15], $0x1  }
0x94: {  	[sflag:s15] =	ssyncset.done $0x0  }
0x95: {  	[sflag:s15] =	ssyncadd.s32 $0xFFFFFFFF  }
0x96: {  	s16 =	sld [smem:$0x10];
	(tm) =	ssettm $0x1  }
0x97: {  	s17 =	sld [smem:$0x3FFB];
	_ =	sdelay $0x3  }
0x98: {  	_ =	strace s17  }
0x99: {  	s3 =	sld [smem:$0x3FFC];
	_ =	sdelay $0x3  }
0x9a: {  	_ =	strace s3  }
0x9b: {  	s3 =	sld [smem:$0x3FFD];
	_ =	sdelay $0x3  }
0x9c: {  	_ =	strace s3  }
0x9d: {  	_ =	strace $0x8FFFFFFF  }
0x9e: {  	s18 =	sld [smem:$0x3FDB];
	_ =	sdelay $0x1  }
0x9f: {  	s19 =	simm.s32 $_scs_section_size  }
0xa0: {  	s5 =	simm.s32 $_size__tile_overlayer_lowered;
	s6 =	simm.s32 $_tile_overlayer_lowered  }
0xa1: {  	s22 =	simm.s32 $0x1BFF;
	s21 =	sshll.u32 s6, $0x1;
	s3 =	sadd.s32 s19, s18  }
0xa2: {  	s7 =	simm.s32 $0x0;
	s20 =	sshll.u32 s5, $0x1;
	s5 =	sadd.s32 s21, s3  }
0xa3: {  	[timem:s7], [sflag:s22] =	dma.local [hbm:s5], s20  }
0xa4: {  	_ =	swait.ge [sflag:s22], s20  }
0xa5: {  	s4 =	ssub.s32 $0x0, s20;
	[sflag:s22] =	ssyncset.done $0x0  }
0xa6: {  	[sflag:s22] =	ssyncadd.s32 s4;
	_ =	sdelay $0x1  }
0xa7: {  	s23 =	simm.s32 $0x1B8B  }
0xa8: {  	_ =	swait.ge [sflag:s23], $0x1  }
0xa9: {  	[sflag:s23] =	ssyncset.done $0x0  }
0xaa: {  	s25 =	simm.s32 $0x1B8E;
	s24 =	sld [smem:$0x3FFE];
	[sflag:s23] =	ssyncadd.s32 $0xFFFFFFFF  }
0xab: {  	s26 =	simm.s32 $execute0_lowered;
	[smem:$0x3FD2] =	sst s25  }
0xac: {  	s5 =	sshll.u32 s26, $0x1;
	_ =	strace $0x80000049;
	[dreg:$0x1] =	wrdreg $0xFFFFFFFF  }
0xad: {  	s28 =	simm.s32 $_size_execute0_lowered;
	s3 =	sadd.s32 s3, s5;
	[dreg:$0x0] =	wrdreg $0x0  }
0xae: {  	s5 =	sshll.u32 s28, $0x1;
	[dreg:$0x2] =	wrdreg s3  }
0xaf: {  	[dreg:$0x3] =	wrdreg s5  }
0xb0: {  	[dreg:$0x4] =	wrdreg $0xC0  }
0xb1: {  	_ =	task [dreg:s7], $0x5FFFF  }
0xb2: {  	[dreg:$0x1] =	wrdreg $0xFFFFFFFF  }
0xb3: {  	[dreg:$0x0] =	wrdreg $0x60  }
0xb4: {  	[dreg:$0x2] =	wrdreg s24  }
0xb5: {  	[dreg:$0x3] =	wrdreg s16  }
0xb6: {  	[dreg:$0x4] =	wrdreg $0x9  }
0xb7: {  	_ =	task.clear_ibuf [dreg:s7], $0x5FFFF;
	_ =	strace $0x90000049  }
0xb8: {  	s29 =	simm.s32 $0x9;
	_ =	strace $0x8000004B  }
0xb9: {  	_ =	swait.ge [sflag:s29], $0x1  }
0xba: {  	[sflag:s29] =	ssyncadd.s32 $0xFFFFFFFF  }
0xbb: {  	_ =	strace $0x9000004B  }
0xbc: {  	_ =	sfence  }
0xbd: {  	s30 =	sld [smem:$0x0];
	_ =	sdelay $0x2  }
0xbe: {  	s31 =	sshll.u32 s1, $0xD;
	s1 =	sshrl.u32 s1, $0x2  }
0xbf: {  	s3 =	sand.u32 $0x4000, s31;
	s1 =	sadd.s32 s1, s30  }
0xc0: {  	s0 =	sor.u32 s3, s0;
	s1 =	sshll.u32 s1, $0x11  }
0xc1: {  	s0 =	sor.u32 s1, s0  }
0xc2: {  	s0 =	sadd.s32 $0x8F2B, s0  }
0xc3: {  	[sflag:s0] =	ssyncadd.remote.s32 $0x1  }
0xc4: {  	_ =	sfence.sel $0xFFFF  }
0xc5: {  	[dreg:$0x0] =	wrdreg $0xFFFFFFFF;
	(pc) =	sbr.abs _section_cstart, $3  }
0xc6: {  	[dreg:$0x1] =	wrdreg $0xFFFFFFFF  }
0xc7: {  	_ =	task.clear_ibuf [dreg:s7], $0x2FFFF;
	_ =	strace $0x9FFFFFFF  }
0xc8: {  	(tm) =	ssettm $0x7FFFFFFF  }
0xc9: {  	_ =	shalt  }
tec
execute0_lowered:
.L_overlay_start_1:
0x0: {  	(tag) =	ssettag $0x1  }
0x1: {  	s0 =	srdreg.scid  }
0x2: {  	s1 =	sshll.u32 s0, $0x4  }
0x3: {  	s0 =	stileid.u32;
	s1 =	sand.u32 $0x10, s1  }
0x4: {  	s2 =	sor.u32 s0, s1  }
0x5: {  	s1 =	smin.u32 s2, $0x12  }
0x6: {  	s1 =	sadd.s32 s2, s1  }
0x7: {  	p0 =	slt.u32 s2, $0x12;
	s2 =	simm.s32 $0x320;
	s1 =	smul.u32 $0x190, s1  }
0x8: {  	s2 =	simm.s32 @!p0 $0x190  }
0x9: {  	s2 =	sadd.s32 s2, s1  }
0xa: {  	s3 =	smin.u32 s2, $0x4E20  }
0xb: {  	s7 =	ssub.s32 s3, s1  }
0xc: {  	p0 =	sgt.s32 s7, $0x0  }
0xd: {  	s7 =	simm.s32 @!p0 $0x0  }
0xe: {  	s31 =	sand.u32 $0xFFF0, s7  }
0xf: {  	s2 =	sshrl.u32 s31, $0x4  }
0x10: {  	s4 =	rddreg [dreg:$0x0];
	s2 =	smul.u32 $0xA3E, s2  }
0x11: {  	s5 =	rddreg [dreg:$0x1]  }
0x12: {  	s6 =	simm.s32 $0x1;
	s10 =	simm.s32 $0x3;
	s8 =	sshrl.u32 s2, $0x10  }
0x13: {  	s13 =	simm.s32 $0x0;
	s12 =	simm.s32 $0x0;
	s9 =	smul.u32 $0x190, s8  }
.Ltmp0:
0x14: {  	s11 =	smov.u32 s1;
	s2 =	rddreg [dreg:$0x2];
	(pc) =	sbr.rel .LBB2_1-.Ltmp0, $4  }
0x15: {  	_ =	strace $0x8000004A;
	p0 =	sne.s32 s7, s9;
	s9 =	simm.s32 $0x1  }
0x16: {  	[sflag:s6] =	ssyncpa.u1 $0x0;
	s7 =	simm.s32 $0x2;
	s9 =	simm.s32 @!p0 $0x0  }
0x17: {  	[sflag:s7] =	ssyncpa.u1 $0x0;
	p0 =	por $0x0, $0x0;
	s8 =	sadd.s32 s8, s9  }
0x18: {  	vm0 =	vmmov $0xff;
	vm1 =	vcmask $0x3F20;
	s9 =	sadd.s32 $0x4E200, s4;
	[sflag:s10] =	ssyncpa.u1 $0x0;
	s10 =	sadd.s32 $0x1, s8  }
.LBB2_6:
0x19: {  	[hbm:s17] =	stream.linear.scatter [tilespmem:s14], [sflag:$0x3], $0x400, $0x38;
	[tilespmem:$0x19320] =	vst v63  }
.LBB2_7:
0x1a: {  	s13 =	sadd.s32 $0x190, s11  }
0x1b: {  	s15 =	smov.u32 s1;
	p2 =	slt.s32 s13, s3  }
0x1c: {  	s15 =	smov.u32 @p2 s13;
	p2 =	sne.s32 s12, s10  }
.Ltmp1:
0x1d: {  	p1 =	slt.u32 s12, $0x2;
	(pc) =	sbr.rel @!p2 .LBB2_8-.Ltmp1, $4  }
0x1e: {  	s14 =	simm.s32 @!p1 $0x3  }
0x1f: {  	s16 =	sadd.s32 $0x1, s12;
	_ =	swait.ge @!p1 [sflag:s14], $0xC800  }
0x20: {  	p0 =	por !p0, !p0;
	s13 =	smov.u32 s11;
	[sflag:s14] =	ssyncset.done @!p1 $0x0  }
0x21: {  	s12 =	smov.u32 s16;
	s11 =	smov.u32 s15;
	[sflag:s14] =	ssyncadd.s32 @!p1 $0xFFFF3800  }
.LBB2_1:
0x22: {  	p1 =	sge.u32 s12, s8  }
0x23: {  	s14 =	sxor.u32 @!p1 $0xFFFFFFFF, s12  }
0x24: {  	s14 =	sand.u32 @!p1 $0x1, s14  }
0x25: {  	s14 =	smul.u32 @!p1 $0x640, s14  }
0x26: {  	s31 =	sadd.s32 $0xFFFFFFFF, s12;
	s15 =	sshrl.u32 @!p1 s11, $0x3  }
0x27: {  	s16 =	sand.u32 @!p1 $0x7, s11;
	s15 =	sadd.s32 @!p1 s5, s15;
	s14 =	sshrl.u32 @!p1 s14, $0x2  }
0x28: {  	[tilespmem:s14], [sflag:$0x2] =	stream.linear.gather @!p1 [hbm4b:s15+s16], $0x190, $0x38;
	[tilespmem:$0x19320] =	vst v63  }
0x29: {  	p1 =	sge.u32 s31, s8  }
.Ltmp2:
0x2a: {  	_ = 	snop;
	(pc) =	sbr.rel @p1 .LBB2_7-.Ltmp2, $1  }
0x2b: {  	_ =	sdelay $0x3  }
0x2c: {  	s14 =	simm.s32 $0x1  }
0x2d: {  	s14 =	simm.s32 @!p0 $0x0  }
0x2e: {  	s15 =	smul.u32 $0x640, s14  }
0x2f: {  	_ =	swait.ge [sflag:s7], $0x190  }
0x30: {  	[sflag:s7] =	ssyncset.done $0x0;
	s16 =	sshrl.u32 s15, $0x2  }
0x31: {  	[sflag:s7] =	ssyncadd.s32 $0xFFFFFE70;
	s15 =	sadd.s32 $0x0, s16  }
0x32: {  	v0 =	vld.msk [tilespmem:s15+$0x0 ss:$0x1], $0xffff;
	_ =	sdelay $0x4  }
0x33: {  	vm2 =	vgt.s32 v0, $0x0  }
0x34: {  	v0 =	vnsel vm2, $0x0, v0  }
0x35: {  	v0 =	vmin.u32 v0, $0x4E1F  }
0x36: {  	v0 =	vshll.u32 v0, $0x4  }
0x37: {  	s14 =	smul.u32 $0x32000, s14;
	_ =	sdelay $0x1  }
0x38: {  	s14 =	sshrl.u32 s14, $0x2  }
0x39: {  	s14 =	sor.u32 $0x320, s14  }
0x3a: {  	[tilespmem:s14], [sflag:$0x1] =	stream.indirect_vreg.gather [hbm:s9], $0x80, v0, vm0, $0x38;
	[tilespmem:$0x19320] =	vst v63  }
0x3b: {  	s17 =	sadd.s32 $0x10, s16;
	s15 =	sadd.s32 $0x400, s14  }
0x3c: {  	[tilespmem:s15], [sflag:$0x1] =	stream.indirect_vreg.gather [hbm:s9], $0x80, v0, vm1, $0x38;
	[tilespmem:$0x19320] =	vst v63  }
0x3d: {  	s18 =	simm.s32 $0x80;
	v0 =	vld.msk [tilespmem:s17+$0x0 ss:$0x1], $0xffff;
	s17 =	smov.u32 s14  }
.LBB2_3:
0x3e: {  	p1 =	sne.s32 s18, $0x600;
	_ =	sdelay $0x4  }
0x3f: {  	vm2 =	vgt.s32 v0, $0x0  }
0x40: {  	v0 =	vnsel vm2, $0x0, v0  }
0x41: {  	v0 =	vmin.u32 v0, $0x4E1F  }
0x42: {  	v0 =	vshll.u32 v0, $0x4;
	_ =	sdelay $0x3  }
.Ltmp3:
0x43: {  	s19 =	sshra.s32 s18, $0x2;
	s17 =	sadd.s32 $0x800, s17;
	(pc) =	sbr.rel @p1 .LBB2_3-.Ltmp3, $4  }
0x44: {  	[tilespmem:s17], [sflag:$0x1] =	stream.indirect_vreg.gather [hbm:s9], $0x80, v0, vm0, $0x38;
	[tilespmem:$0x19320] =	vst v63  }
0x45: {  	s19 =	sadd.s32 s19, s16;
	s20 =	sadd.s32 $0x400, s17  }
0x46: {  	[tilespmem:s20], [sflag:$0x1] =	stream.indirect_vreg.gather [hbm:s9], $0x80, v0, vm1, $0x38;
	[tilespmem:$0x19320] =	vst v63  }
0x47: {  	s18 =	sadd.s32 $0x40, s18;
	v0 =	vld.msk [tilespmem:s19+$0x0 ss:$0x1], $0xffff  }
0x48: {  	_ =	sdelay $0x3  }
0x49: {  	vm2 =	vgt.s32 v0, $0x0  }
0x4a: {  	v0 =	vnsel vm2, $0x0, v0  }
0x4b: {  	v0 =	vmin.u32 v0, $0x4E1F  }
0x4c: {  	v0 =	vshll.u32 v0, $0x4;
	_ =	sdelay $0x3  }
0x4d: {  	s16 =	sadd.s32 $0x800, s17  }
0x4e: {  	[tilespmem:s16], [sflag:$0x1] =	stream.indirect_vreg.gather [hbm:s9], $0x80, v0, vm0, $0x38;
	[tilespmem:$0x19320] =	vst v63  }
0x4f: {  	s16 =	sadd.s32 $0x400, s16  }
0x50: {  	[tilespmem:s16], [sflag:$0x1] =	stream.indirect_vreg.gather [hbm:s9], $0x80, v0, vm1, $0x38;
	[tilespmem:$0x19320] =	vst v63  }
0x51: {  	s13 =	sshll.u32 s13, $0x4;
	_ =	swait.ge [sflag:s6], $0xC800  }
0x52: {  	s13 =	sadd.s32 s13, s4;
	[sflag:s6] =	ssyncset.done $0x0  }
0x53: {  	s17 =	sadd.s32 $0x0, s13;
	s16 =	simm.s32 $0x80;
	[sflag:s6] =	ssyncadd.s32 $0xFFFF3800  }
.LBB2_5:
0x54: {  	[hbm:s17] =	stream.linear.scatter [tilespmem:s14], [sflag:$0x3], $0x400, $0x38;
	[tilespmem:$0x19320] =	vst v63  }
0x55: {  	s17 =	smov.u32 s16;
	s14 =	smov.u32 s15;
	p1 =	sne.s32 s16, $0x1880  }
.Ltmp4:
0x56: {  	s16 =	sadd.s32 $0x80, s16;
	(pc) =	sbr.rel @p1 .LBB2_5-.Ltmp4, $2  }
0x57: {  	_ =	sdelay $0x2  }
0x58: {  	s15 =	sadd.s32 $0x400, s15;
	s17 =	sadd.s32 s17, s13  }
.Ltmp5:
0x59: {  	_ = 	snop;
	(pc) =	sbr.rel .LBB2_6-.Ltmp5, $1  }
0x5a: {  	_ =	sdelay $0x3  }
.LBB2_8:
0x5b: {  	_ =	sfence.sel $0x180000  }
0x5c: {  	s1 =	simm.s32 $0x2;
	[bflag:$0x0] =	sbarrier.arrive $0xFFFF  }
0x5d: {  	s30 =	simm.s32 $0x3;
	[sflag:s1] =	ssyncpa.u1 $0x1  }
0x5e: {  	s31 =	simm.s32 $0x1;
	[sflag:s30] =	ssyncpa.u1 $0x1  }
0x5f: {  	[sflag:s31] =	ssyncpa.u1 $0x1  }
0x60: {  	p0 =	sne.s32 s0, $0x0;
	_ =	strace $0x9000004A  }
0x61: {  	s0 =	sadd.s32 @!p0 $0x100000, s2;
	[bflag:$0x2] =	sbarrier.arrive $0xFFFF  }
0x62: {  	[sflag:s0] =	ssyncadd.tile.s32 @!p0 $0x1;
	_ =	shalt  }
.Lfunc_end2:
_tile_overlayer_lowered:
.L_overlay_start_2:
0x63: {  	(tag) =	ssettag $0x2  }
0x64: {  	s0 =	rddreg [dreg:$0x0];
	s2 =	stileid.u32  }
0x65: {  	s1 =	rddreg [dreg:$0x1];
	p0 =	sne.s32 s2, $0x0  }
0x66: {  	s3 =	rddreg [dreg:$0x2];
	[bflag:$0x3] =	sbarrier.arrive $0xFFFF;
	s2 =	simm.s32 @!p0 $0x1C01  }
0x67: {  	[timem:s3], [sflag:s2] =	dma.local @!p0 [hbm:s0], s1  }
0x68: {  	s0 =	simm.s32 @!p0 $0x1  }
0x69: {  	_ =	swait.ge @!p0 [sflag:s0], s1  }
0x6a: {  	s1 =	ssub.s32 @!p0 $0x0, s1;
	[sflag:s0] =	ssyncset.done @!p0 $0x0  }
0x6b: {  	[sflag:s0] =	ssyncadd.s32 @!p0 s1  }
0x6c: {  	[bflag:$0x3] =	sbarrier.arrive $0xFFFF  }
0x6d: {  	_ =	shalt  }

// kernel: gather_offload_async_start
scs
__scs_entry_jumppad:
0x0: {  	(pc) =	sbr.rel $0x88, $3  }
0x1: {  	(tag) =	ssettag $0x0;
	lr =	simm.s32 $0x1  }
0x2: {  	[smem:$0x3F9E] =	sst lr;
	_ =	strace $0xD0000000  }
0x3: {  	_ = 	snop  }
0x4: {  	_ = 	snop  }
0x5: {  	_ = 	snop  }
0x6: {  	_ = 	snop  }
0x7: {  	_ = 	snop  }
__scs_overlays_trampoline_lowered:
0x8: {  	[smem:$0x3FAD] =	sst s0  }
0x9: {  	[smem:$0x3FAE] =	sst s1  }
0xa: {  	[smem:$0x3FAF] =	sst s2  }
0xb: {  	[smem:$0x3FB0] =	sst s3  }
0xc: {  	[smem:$0x3FB1] =	sst s4  }
0xd: {  	[smem:$0x3FB2] =	sst s5  }
0xe: {  	[smem:$0x3FB3] =	sst s6  }
0xf: {  	[smem:$0x3FB4] =	sst s7  }
0x10: {  	[smem:$0x3FB5] =	sst s8  }
0x11: {  	[smem:$0x3FB6] =	sst s9;
	s0 =	simm.s32 @!p0 $0x0  }
0x12: {  	s1 =	sld [smem:$0x3F9C];
	s0 =	simm.s32 @p0 $0x1  }
0x13: {  	[smem:$0x3FB7] =	sst s0;
	s0 =	simm.s32 @!p1 $0x0  }
0x14: {  	s2 =	sld [smem:$0x3F9B];
	s0 =	simm.s32 @p1 $0x1  }
0x15: {  	[smem:$0x3FB8] =	sst s0;
	s0 =	simm.s32 @!p2 $0x0  }
0x16: {  	s3 =	sld [smem:$0x3FDB];
	s0 =	simm.s32 @p2 $0x1  }
0x17: {  	s4 =	simm.s32 $0x1BF5;
	[smem:$0x3FBA] =	sst s0  }
0x18: {  	s0 =	sld [smem:$0x3F9D];
	_ =	swait.ge [sflag:s4], $0x0  }
0x19: {  	s7 =	sld [smem:$0x3F9E]  }
0x1a: {  	s8 =	sadd.s32 $0xFFFFE003, lr  }
0x1b: {  	s9 =	sadd.s32 $0xFFFFFEF7, lr;
	s5 =	simm.s32 $0xFFFFFFFF;
	p2 =	slt.u32 s8, $0xFFFFF086  }
0x1c: {  	p1 =	slt.u32 s9, $0xF7A;
	s5 =	simm.s32 @!p2 $0x0  }
0x1d: {  	s5 =	simm.s32 @p1 $0x1;
	p0 =	seq.s32 s7, s2  }
0x1e: {  	s7 =	smul.u32 @!p0 $0xF7A, s2;
	p2 =	seq.s32 @!p0 s5, $0x0  }
0x1f: {  	s9 =	smul.u32 $0xF7A, s1;
	s8 =	simm.s32 @!p0 $0x1BF5;
	p2 =	por !p2, p0  }
0x20: {  	[sflag:s8] =	ssyncset.s32 @!p0 $0xFFFFF086;
	s6 =	sadd.s32 @!p0 s3, s7;
	s7 =	simm.s32 @!p0 $0x108  }
0x21: {  	s3 =	sadd.s32 s3, s9;
	s6 =	sadd.s32 @!p0 $0x88, s6;
	s7 =	simm.s32 @p2 $0x1082  }
0x22: {  	[simem:s7], [sflag:s8] =	dma.local @!p0 [hbm:s6], $0xF7A  }
0x23: {  	s9 =	sor.u32 $0xD0000000, s2;
	s6 =	simm.s32 $0x108;
	_ =	swait.ge @!p0 [sflag:s8], $0x0  }
0x24: {  	s3 =	sadd.s32 $0x88, s3;
	s6 =	simm.s32 @!p1 $0x1082;
	[sflag:s4] =	ssyncset.s32 $0xFFFFF086  }
0x25: {  	[simem:s6], [sflag:s4] =	dma.local [hbm:s3], $0xF7A  }
0x26: {  	[smem:$0x3F9E] =	sst s1;
	(tag) =	ssettag s2;
	_ =	strace s9  }
0x27: {  	s1 =	sld [smem:$0x3FAE]  }
0x28: {  	s2 =	sld [smem:$0x3FAF]  }
0x29: {  	s4 =	sld [smem:$0x3FB1]  }
0x2a: {  	p0 =	seq.s32 s5, $0x0;
	s5 =	sld [smem:$0x3FB2]  }
0x2b: {  	s6 =	sld [smem:$0x3FB3]  }
0x2c: {  	s7 =	sld [smem:$0x3FB4]  }
0x2d: {  	s3 =	simm.s32 $0x108;
	s8 =	sld [smem:$0x3FB5]  }
0x2e: {  	s3 =	simm.s32 @!p0 $0x1082;
	s9 =	sld [smem:$0x3FB6]  }
0x2f: {  	lr =	sadd.s32 s0, s3;
	s0 =	sld [smem:$0x3FAD]  }
0x30: {  	s3 =	sld [smem:$0x3FB0]  }
0x31: {  	[smem:$0x3FB9] =	sst s10  }
0x32: {  	s10 =	sld [smem:$0x3FB7];
	_ =	sdelay $0x3  }
0x33: {  	p0 =	seq.s32 s10, $0x1;
	s10 =	sld [smem:$0x3FB9];
	_ =	sdelay $0x3  }
0x34: {  	[smem:$0x3FB9] =	sst s10  }
0x35: {  	s10 =	sld [smem:$0x3FB8];
	_ =	sdelay $0x3  }
0x36: {  	p1 =	seq.s32 s10, $0x1;
	s10 =	sld [smem:$0x3FB9];
	_ =	sdelay $0x3  }
0x37: {  	[smem:$0x3FB9] =	sst s10  }
0x38: {  	s10 =	sld [smem:$0x3FBA]  }
0x39: {  	_ = 	snop;
	(pc) =	sbr.ind lr, $3  }
0x3a: {  	_ = 	snop  }
0x3b: {  	_ = 	snop  }
0x3c: {  	p2 =	seq.s32 s10, $0x1;
	s10 =	sld [smem:$0x3FB9]  }
0x3d: {  	_ =	shalt  }
0x3e: {  	_ =	shalt  }
0x3f: {  	_ =	shalt  }
0x40: {  	_ =	shalt  }
0x41: {  	_ =	shalt  }
0x42: {  	_ =	shalt  }
0x43: {  	_ =	shalt  }
0x44: {  	_ =	shalt  }
0x45: {  	_ =	shalt  }
0x46: {  	_ =	shalt  }
0x47: {  	_ =	shalt  }
0x48: {  	_ =	shalt  }
0x49: {  	_ =	shalt  }
0x4a: {  	_ =	shalt  }
0x4b: {  	_ =	shalt  }
0x4c: {  	_ =	shalt  }
0x4d: {  	_ =	shalt  }
0x4e: {  	_ =	shalt  }
0x4f: {  	_ =	shalt  }
0x50: {  	_ =	shalt  }
0x51: {  	_ =	shalt  }
0x52: {  	_ =	shalt  }
0x53: {  	_ =	shalt  }
0x54: {  	_ =	shalt  }
0x55: {  	_ =	shalt  }
0x56: {  	_ =	shalt  }
0x57: {  	_ =	shalt  }
0x58: {  	_ =	shalt  }
0x59: {  	_ =	shalt  }
0x5a: {  	_ =	shalt  }
0x5b: {  	_ =	shalt  }
0x5c: {  	_ =	shalt  }
0x5d: {  	_ =	shalt  }
0x5e: {  	_ =	shalt  }
0x5f: {  	_ =	shalt  }
0x60: {  	_ =	shalt  }
0x61: {  	_ =	shalt  }
0x62: {  	_ =	shalt  }
0x63: {  	_ =	shalt  }
0x64: {  	_ =	shalt  }
0x65: {  	_ =	shalt  }
0x66: {  	_ =	shalt  }
0x67: {  	_ =	shalt  }
0x68: {  	_ =	shalt  }
0x69: {  	_ =	shalt  }
0x6a: {  	_ =	shalt  }
0x6b: {  	_ =	shalt  }
0x6c: {  	_ =	shalt  }
0x6d: {  	_ =	shalt  }
0x6e: {  	_ =	shalt  }
0x6f: {  	_ =	shalt  }
0x70: {  	_ =	shalt  }
0x71: {  	_ =	shalt  }
0x72: {  	_ =	shalt  }
0x73: {  	_ =	shalt  }
0x74: {  	_ =	shalt  }
0x75: {  	_ =	shalt  }
0x76: {  	_ =	shalt  }
0x77: {  	_ =	shalt  }
0x78: {  	_ =	shalt  }
0x79: {  	_ =	shalt  }
0x7a: {  	_ =	shalt  }
0x7b: {  	_ =	shalt  }
0x7c: {  	_ =	shalt  }
0x7d: {  	_ =	shalt  }
0x7e: {  	_ =	shalt  }
0x7f: {  	_ =	shalt  }
0x80: {  	_ =	shalt  }
0x81: {  	_ =	shalt  }
0x82: {  	_ =	shalt  }
0x83: {  	_ =	shalt  }
0x84: {  	_ =	shalt  }
0x85: {  	_ =	shalt  }
0x86: {  	_ =	shalt  }
0x87: {  	_ =	shalt  }
.Lfunc_end0:
.L_simem_size_0:
called_computation_lowered:
.L_overlay_start_0:
0x88: {  	s2 =	sld [smem:$0x3FD9]  }
0x89: {  	s3 =	sld [smem:$0x3FFE];
	_ =	sdelay $0x1  }
0x8a: {  	s1 =	srdreg.scid  }
0x8b: {  	s0 =	sand.u32 $0x1, s1  }
0x8c: {  	s14 =	sshll.u32 s0, $0xA;
	s2 =	sadd.s32 s3, s2  }
0x8d: {  	s2 =	sadd.s32 s2, s14  }
0x8e: {  	[smem:$0x3FC5] =	sst s2  }
0x8f: {  	_ = 	snop  }
0x90: {  	s2 =	sld [smem:$0x3FD0];
	_ =	sdelay $0x2  }
0x91: {  	s15 =	simm.s32 $0xA;
	s4 =	simm.s32 $0x10  }
0x92: {  	[smem:s4], [sflag:s15] =	dma.local [hbm:s2], $0x1  }
0x93: {  	_ =	swait.eq [sflag:s15], $0x1  }
0x94: {  	[sflag:s15] =	ssyncset.done $0x0  }
0x95: {  	[sflag:s15] =	ssyncadd.s32 $0xFFFFFFFF  }
0x96: {  	s16 =	sld [smem:$0x10];
	(tm) =	ssettm $0x1  }
0x97: {  	s17 =	sld [smem:$0x3FFB];
	_ =	sdelay $0x3  }
0x98: {  	_ =	strace s17  }
0x99: {  	s3 =	sld [smem:$0x3FFC];
	_ =	sdelay $0x3  }
0x9a: {  	_ =	strace s3  }
0x9b: {  	s3 =	sld [smem:$0x3FFD];
	_ =	sdelay $0x3  }
0x9c: {  	_ =	strace s3  }
0x9d: {  	_ =	strace $0x8FFFFFFF  }
0x9e: {  	s18 =	sld [smem:$0x3FDB];
	_ =	sdelay $0x1  }
0x9f: {  	s19 =	simm.s32 $_scs_section_size  }
0xa0: {  	s5 =	simm.s32 $_size__tile_overlayer_lowered;
	s6 =	simm.s32 $_tile_overlayer_lowered  }
0xa1: {  	s22 =	simm.s32 $0x1BFF;
	s21 =	sshll.u32 s6, $0x1;
	s3 =	sadd.s32 s19, s18  }
0xa2: {  	s7 =	simm.s32 $0x0;
	s20 =	sshll.u32 s5, $0x1;
	s5 =	sadd.s32 s21, s3  }
0xa3: {  	[timem:s7], [sflag:s22] =	dma.local [hbm:s5], s20  }
0xa4: {  	_ =	swait.ge [sflag:s22], s20  }
0xa5: {  	s4 =	ssub.s32 $0x0, s20;
	[sflag:s22] =	ssyncset.done $0x0  }
0xa6: {  	[sflag:s22] =	ssyncadd.s32 s4;
	_ =	sdelay $0x1  }
0xa7: {  	s23 =	simm.s32 $0x1B8B  }
0xa8: {  	_ =	swait.ge [sflag:s23], $0x1  }
0xa9: {  	[sflag:s23] =	ssyncset.done $0x0  }
0xaa: {  	s25 =	simm.s32 $0x1B8E;
	s24 =	sld [smem:$0x3FFE];
	[sflag:s23] =	ssyncadd.s32 $0xFFFFFFFF  }
0xab: {  	s26 =	simm.s32 $execute0_lowered;
	[smem:$0x3FD2] =	sst s25  }
0xac: {  	s5 =	sshll.u32 s26, $0x1;
	_ =	strace $0x80000046;
	[dreg:$0x1] =	wrdreg $0xFFFFFFFF  }
0xad: {  	s28 =	simm.s32 $_size_execute0_lowered;
	s3 =	sadd.s32 s3, s5;
	[dreg:$0x0] =	wrdreg $0x0  }
0xae: {  	s5 =	sshll.u32 s28, $0x1;
	[dreg:$0x2] =	wrdreg s3  }
0xaf: {  	[dreg:$0x3] =	wrdreg s5  }
0xb0: {  	[dreg:$0x4] =	wrdreg $0xC0  }
0xb1: {  	_ =	task [dreg:s7], $0x5FFFF  }
0xb2: {  	[dreg:$0x1] =	wrdreg $0xFFFFFFFF  }
0xb3: {  	[dreg:$0x0] =	wrdreg $0x60  }
0xb4: {  	[dreg:$0x2] =	wrdreg s24  }
0xb5: {  	[dreg:$0x3] =	wrdreg s16  }
0xb6: {  	[dreg:$0x4] =	wrdreg $0x9  }
0xb7: {  	_ =	task.clear_ibuf [dreg:s7], $0x5FFFF;
	_ =	strace $0x90000046  }
0xb8: {  	s29 =	simm.s32 $0x9;
	_ =	strace $0x80000048  }
0xb9: {  	_ =	swait.ge [sflag:s29], $0x1  }
0xba: {  	[sflag:s29] =	ssyncadd.s32 $0xFFFFFFFF  }
0xbb: {  	_ =	strace $0x90000048  }
0xbc: {  	_ =	sfence  }
0xbd: {  	s30 =	sld [smem:$0x0];
	_ =	sdelay $0x2  }
0xbe: {  	s31 =	sshll.u32 s1, $0xD;
	s1 =	sshrl.u32 s1, $0x2  }
0xbf: {  	s3 =	sand.u32 $0x4000, s31;
	s1 =	sadd.s32 s1, s30  }
0xc0: {  	s0 =	sor.u32 s3, s0;
	s1 =	sshll.u32 s1, $0x11  }
0xc1: {  	s0 =	sor.u32 s1, s0  }
0xc2: {  	s0 =	sadd.s32 $0x8F2B, s0  }
0xc3: {  	[sflag:s0] =	ssyncadd.remote.s32 $0x1  }
0xc4: {  	_ =	sfence.sel $0xFFFF  }
0xc5: {  	[dreg:$0x0] =	wrdreg $0xFFFFFFFF;
	(pc) =	sbr.abs _section_cstart, $3  }
0xc6: {  	[dreg:$0x1] =	wrdreg $0xFFFFFFFF  }
0xc7: {  	_ =	task.clear_ibuf [dreg:s7], $0x2FFFF;
	_ =	strace $0x9FFFFFFF  }
0xc8: {  	(tm) =	ssettm $0x7FFFFFFF  }
0xc9: {  	_ =	shalt  }
tec
execute0_lowered:
.L_overlay_start_1:
0x0: {  	(tag) =	ssettag $0x1  }
0x1: {  	s0 =	srdreg.scid  }
0x2: {  	s1 =	sshll.u32 s0, $0x4  }
0x3: {  	s0 =	stileid.u32;
	s1 =	sand.u32 $0x10, s1  }
0x4: {  	s2 =	sor.u32 s0, s1  }
0x5: {  	s1 =	smin.u32 s2, $0x12  }
0x6: {  	s1 =	sadd.s32 s2, s1  }
0x7: {  	p0 =	slt.u32 s2, $0x12;
	s2 =	simm.s32 $0x320;
	s1 =	smul.u32 $0x190, s1  }
0x8: {  	s2 =	simm.s32 @!p0 $0x190  }
0x9: {  	s2 =	sadd.s32 s2, s1  }
0xa: {  	s3 =	smin.u32 s2, $0x4E20  }
0xb: {  	s7 =	ssub.s32 s3, s1  }
0xc: {  	p0 =	sgt.s32 s7, $0x0  }
0xd: {  	s7 =	simm.s32 @!p0 $0x0  }
0xe: {  	s31 =	sand.u32 $0xFFF0, s7  }
0xf: {  	s2 =	sshrl.u32 s31, $0x4  }
0x10: {  	s4 =	rddreg [dreg:$0x0];
	s2 =	smul.u32 $0xA3E, s2  }
0x11: {  	s5 =	rddreg [dreg:$0x1]  }
0x12: {  	s6 =	simm.s32 $0x1;
	s10 =	simm.s32 $0x3;
	s8 =	sshrl.u32 s2, $0x10  }
0x13: {  	s13 =	simm.s32 $0x0;
	s12 =	simm.s32 $0x0;
	s9 =	smul.u32 $0x190, s8  }
.Ltmp0:
0x14: {  	s11 =	smov.u32 s1;
	s2 =	rddreg [dreg:$0x2];
	(pc) =	sbr.rel .LBB2_1-.Ltmp0, $4  }
0x15: {  	_ =	strace $0x80000047;
	p0 =	sne.s32 s7, s9;
	s9 =	simm.s32 $0x1  }
0x16: {  	[sflag:s6] =	ssyncpa.u1 $0x0;
	s7 =	simm.s32 $0x2;
	s9 =	simm.s32 @!p0 $0x0  }
0x17: {  	[sflag:s7] =	ssyncpa.u1 $0x0;
	p0 =	por $0x0, $0x0;
	s8 =	sadd.s32 s8, s9  }
0x18: {  	vm0 =	vmmov $0xff;
	vm1 =	vcmask $0x3F20;
	s9 =	sadd.s32 $0x4E200, s4;
	[sflag:s10] =	ssyncpa.u1 $0x0;
	s10 =	sadd.s32 $0x1, s8  }
.LBB2_6:
0x19: {  	[hbm:s17] =	stream.linear.scatter [tilespmem:s14], [sflag:$0x3], $0x400, $0x38;
	[tilespmem:$0x19320] =	vst v63  }
.LBB2_7:
0x1a: {  	s13 =	sadd.s32 $0x190, s11  }
0x1b: {  	s15 =	smov.u32 s1;
	p2 =	slt.s32 s13, s3  }
0x1c: {  	s15 =	smov.u32 @p2 s13;
	p2 =	sne.s32 s12, s10  }
.Ltmp1:
0x1d: {  	p1 =	slt.u32 s12, $0x2;
	(pc) =	sbr.rel @!p2 .LBB2_8-.Ltmp1, $4  }
0x1e: {  	s14 =	simm.s32 @!p1 $0x3  }
0x1f: {  	s16 =	sadd.s32 $0x1, s12;
	_ =	swait.ge @!p1 [sflag:s14], $0xC800  }
0x20: {  	p0 =	por !p0, !p0;
	s13 =	smov.u32 s11;
	[sflag:s14] =	ssyncset.done @!p1 $0x0  }
0x21: {  	s12 =	smov.u32 s16;
	s11 =	smov.u32 s15;
	[sflag:s14] =	ssyncadd.s32 @!p1 $0xFFFF3800  }
.LBB2_1:
0x22: {  	p1 =	sge.u32 s12, s8  }
0x23: {  	s14 =	sxor.u32 @!p1 $0xFFFFFFFF, s12  }
0x24: {  	s14 =	sand.u32 @!p1 $0x1, s14  }
0x25: {  	s14 =	smul.u32 @!p1 $0x640, s14  }
0x26: {  	s31 =	sadd.s32 $0xFFFFFFFF, s12;
	s15 =	sshrl.u32 @!p1 s11, $0x3  }
0x27: {  	s16 =	sand.u32 @!p1 $0x7, s11;
	s15 =	sadd.s32 @!p1 s5, s15;
	s14 =	sshrl.u32 @!p1 s14, $0x2  }
0x28: {  	[tilespmem:s14], [sflag:$0x2] =	stream.linear.gather @!p1 [hbm4b:s15+s16], $0x190, $0x38;
	[tilespmem:$0x19320] =	vst v63  }
0x29: {  	p1 =	sge.u32 s31, s8  }
.Ltmp2:
0x2a: {  	_ = 	snop;
	(pc) =	sbr.rel @p1 .LBB2_7-.Ltmp2, $1  }
0x2b: {  	_ =	sdelay $0x3  }
0x2c: {  	s14 =	simm.s32 $0x1  }
0x2d: {  	s14 =	simm.s32 @!p0 $0x0  }
0x2e: {  	s15 =	smul.u32 $0x640, s14  }
0x2f: {  	_ =	swait.ge [sflag:s7], $0x190  }
0x30: {  	[sflag:s7] =	ssyncset.done $0x0;
	s16 =	sshrl.u32 s15, $0x2  }
0x31: {  	[sflag:s7] =	ssyncadd.s32 $0xFFFFFE70;
	s15 =	sadd.s32 $0x0, s16  }
0x32: {  	v0 =	vld.msk [tilespmem:s15+$0x0 ss:$0x1], $0xffff;
	_ =	sdelay $0x4  }
0x33: {  	vm2 =	vgt.s32 v0, $0x0  }
0x34: {  	v0 =	vnsel vm2, $0x0, v0  }
0x35: {  	v0 =	vmin.u32 v0, $0x4E1F  }
0x36: {  	v0 =	vshll.u32 v0, $0x4  }
0x37: {  	s14 =	smul.u32 $0x32000, s14;
	_ =	sdelay $0x1  }
0x38: {  	s14 =	sshrl.u32 s14, $0x2  }
0x39: {  	s14 =	sor.u32 $0x320, s14  }
0x3a: {  	[tilespmem:s14], [sflag:$0x1] =	stream.indirect_vreg.gather [hbm:s4], $0x80, v0, vm0, $0x38;
	[tilespmem:$0x19320] =	vst v63  }
0x3b: {  	s17 =	sadd.s32 $0x10, s16;
	s15 =	sadd.s32 $0x400, s14  }
0x3c: {  	[tilespmem:s15], [sflag:$0x1] =	stream.indirect_vreg.gather [hbm:s4], $0x80, v0, vm1, $0x38;
	[tilespmem:$0x19320] =	vst v63  }
0x3d: {  	s18 =	simm.s32 $0x80;
	v0 =	vld.msk [tilespmem:s17+$0x0 ss:$0x1], $0xffff;
	s17 =	smov.u32 s14  }
.LBB2_3:
0x3e: {  	p1 =	sne.s32 s18, $0x600;
	_ =	sdelay $0x4  }
0x3f: {  	vm2 =	vgt.s32 v0, $0x0  }
0x40: {  	v0 =	vnsel vm2, $0x0, v0  }
0x41: {  	v0 =	vmin.u32 v0, $0x4E1F  }
0x42: {  	v0 =	vshll.u32 v0, $0x4;
	_ =	sdelay $0x3  }
.Ltmp3:
0x43: {  	s19 =	sshra.s32 s18, $0x2;
	s17 =	sadd.s32 $0x800, s17;
	(pc) =	sbr.rel @p1 .LBB2_3-.Ltmp3, $4  }
0x44: {  	[tilespmem:s17], [sflag:$0x1] =	stream.indirect_vreg.gather [hbm:s4], $0x80, v0, vm0, $0x38;
	[tilespmem:$0x19320] =	vst v63  }
0x45: {  	s19 =	sadd.s32 s19, s16;
	s20 =	sadd.s32 $0x400, s17  }
0x46: {  	[tilespmem:s20], [sflag:$0x1] =	stream.indirect_vreg.gather [hbm:s4], $0x80, v0, vm1, $0x38;
	[tilespmem:$0x19320] =	vst v63  }
0x47: {  	s18 =	sadd.s32 $0x40, s18;
	v0 =	vld.msk [tilespmem:s19+$0x0 ss:$0x1], $0xffff  }
0x48: {  	_ =	sdelay $0x3  }
0x49: {  	vm2 =	vgt.s32 v0, $0x0  }
0x4a: {  	v0 =	vnsel vm2, $0x0, v0  }
0x4b: {  	v0 =	vmin.u32 v0, $0x4E1F  }
0x4c: {  	v0 =	vshll.u32 v0, $0x4;
	_ =	sdelay $0x3  }
0x4d: {  	s16 =	sadd.s32 $0x800, s17  }
0x4e: {  	[tilespmem:s16], [sflag:$0x1] =	stream.indirect_vreg.gather [hbm:s4], $0x80, v0, vm0, $0x38;
	[tilespmem:$0x19320] =	vst v63  }
0x4f: {  	s16 =	sadd.s32 $0x400, s16  }
0x50: {  	[tilespmem:s16], [sflag:$0x1] =	stream.indirect_vreg.gather [hbm:s4], $0x80, v0, vm1, $0x38;
	[tilespmem:$0x19320] =	vst v63  }
0x51: {  	s13 =	sshll.u32 s13, $0x4;
	_ =	swait.ge [sflag:s6], $0xC800  }
0x52: {  	s13 =	sadd.s32 s13, s9;
	[sflag:s6] =	ssyncset.done $0x0  }
0x53: {  	s17 =	sadd.s32 $0x0, s13;
	s16 =	simm.s32 $0x80;
	[sflag:s6] =	ssyncadd.s32 $0xFFFF3800  }
.LBB2_5:
0x54: {  	[hbm:s17] =	stream.linear.scatter [tilespmem:s14], [sflag:$0x3], $0x400, $0x38;
	[tilespmem:$0x19320] =	vst v63  }
0x55: {  	s17 =	smov.u32 s16;
	s14 =	smov.u32 s15;
	p1 =	sne.s32 s16, $0x1880  }
.Ltmp4:
0x56: {  	s16 =	sadd.s32 $0x80, s16;
	(pc) =	sbr.rel @p1 .LBB2_5-.Ltmp4, $2  }
0x57: {  	_ =	sdelay $0x2  }
0x58: {  	s15 =	sadd.s32 $0x400, s15;
	s17 =	sadd.s32 s17, s13  }
.Ltmp5:
0x59: {  	_ = 	snop;
	(pc) =	sbr.rel .LBB2_6-.Ltmp5, $1  }
0x5a: {  	_ =	sdelay $0x3  }
.LBB2_8:
0x5b: {  	_ =	sfence.sel $0x180000  }
0x5c: {  	s1 =	simm.s32 $0x2;
	[bflag:$0x0] =	sbarrier.arrive $0xFFFF  }
0x5d: {  	s30 =	simm.s32 $0x3;
	[sflag:s1] =	ssyncpa.u1 $0x1  }
0x5e: {  	s31 =	simm.s32 $0x1;
	[sflag:s30] =	ssyncpa.u1 $0x1  }
0x5f: {  	[sflag:s31] =	ssyncpa.u1 $0x1  }
0x60: {  	p0 =	sne.s32 s0, $0x0;
	_ =	strace $0x90000047  }
0x61: {  	s0 =	sadd.s32 @!p0 $0x100000, s2;
	[bflag:$0x2] =	sbarrier.arrive $0xFFFF  }
0x62: {  	[sflag:s0] =	ssyncadd.tile.s32 @!p0 $0x1;
	_ =	shalt  }
.Lfunc_end2:
_tile_overlayer_lowered:
.L_overlay_start_2:
0x63: {  	(tag) =	ssettag $0x2  }
0x64: {  	s0 =	rddreg [dreg:$0x0];
	s2 =	stileid.u32  }
0x65: {  	s1 =	rddreg [dreg:$0x1];
	p0 =	sne.s32 s2, $0x0  }
0x66: {  	s3 =	rddreg [dreg:$0x2];
	[bflag:$0x3] =	sbarrier.arrive $0xFFFF;
	s2 =	simm.s32 @!p0 $0x1C01  }
0x67: {  	[timem:s3], [sflag:s2] =	dma.local @!p0 [hbm:s0], s1  }
0x68: {  	s0 =	simm.s32 @!p0 $0x1  }
0x69: {  	_ =	swait.ge @!p0 [sflag:s0], s1  }
0x6a: {  	s1 =	ssub.s32 @!p0 $0x0, s1;
	[sflag:s0] =	ssyncset.done @!p0 $0x0  }
0x6b: {  	[sflag:s0] =	ssyncadd.s32 @!p0 s1  }
0x6c: {  	[bflag:$0x3] =	sbarrier.arrive $0xFFFF  }
0x6d: {  	_ =	shalt  }

</sc_bundles>
